<compile_context>
chip_gen: v7x
topology: tpu7x:2x2x1
jax: 0.10.2.dev20260603
libtpu: 0.0.44.dev20260713+nightly
codegen_flags: <defaults>
</compile_context>

<pallas_src>
import math

import jax
import jax.numpy as jnp
from jax.experimental import pallas as pl
from jax.experimental.pallas import tpu as pltpu

_H = 512
_W = 512
_MAX_SEGMENTS = 50
_MIN_PIXELS = 20
_SHADOW_OFFSET = 7.0
_TRANSLATION_STRENGTH = 20.0
_CC_ITERS = 64
_BIG = _H * _W


def _cc_kernel_body(mask_ref, out_ref):
    mask = mask_ref[:]
    row = jax.lax.broadcasted_iota(jnp.int32, (2, _H, _W), 1)
    col = jax.lax.broadcasted_iota(jnp.int32, (2, _H, _W), 2)
    idx = row * _W + col
    lab = jnp.where(mask > 0, idx, _BIG)

    def body(_, lab):
        p = jnp.pad(lab, ((0, 0), (1, 1), (1, 1)), constant_values=_BIG)
        nb = jnp.minimum(
            jnp.minimum(p[:, :-2, 1:-1], p[:, 2:, 1:-1]),
            jnp.minimum(p[:, 1:-1, :-2], p[:, 1:-1, 2:]))
        return jnp.where(mask > 0, jnp.minimum(lab, nb), _BIG)

    lab = jax.lax.fori_loop(0, _CC_ITERS, body, lab)
    out_ref[:] = lab


def _cc_pallas(masks, interpret=False):
    return pl.pallas_call(
        _cc_kernel_body,
        out_shape=jax.ShapeDtypeStruct((2, _H, _W), jnp.int32),
        interpret=interpret,
    )(masks)


def _raster_kernel_body(base4_ref, imgA_ref, labB_ref, scf_ref, sci_ref,
                        out_ref, acc_ref, sh_ref):
    acc_ref[...] = jnp.zeros((4, _H, _W), jnp.float32)
    sh_ref[...] = jnp.zeros((_H, _W), jnp.float32)
    base4 = base4_ref[:]
    labB = labB_ref[:]
    row_iota = jax.lax.broadcasted_iota(jnp.int32, (_H, _W), 0)
    col_iota = jax.lax.broadcasted_iota(jnp.int32, (_H, _W), 1)
    xsf = jax.lax.broadcasted_iota(jnp.int32, (1, _W), 1).astype(jnp.float32)
    ysf = jax.lax.broadcasted_iota(jnp.int32, (_H, 1), 0).astype(jnp.float32)

    def body(i, _):
        labj = sci_ref[0, i]
        cay = scf_ref[0, i]
        cax = scf_ref[1, i]
        cby = scf_ref[2, i]
        cbx = scf_ref[3, i]
        tsin = scf_ref[4, i]
        tcos = scf_ref[5, i]
        okv = scf_ref[6, i]

        dx = xsf - cbx
        ty = jnp.round(cay + dx + tsin)
        dy = ysf - cby
        tx = jnp.round(cax - dy + tcos)
        iy = (ty >= 0) & (ty <= _H - 1)
        ix = (tx >= 0) & (tx <= _W - 1)
        tyi = jnp.clip(ty, 0, _H - 1).astype(jnp.int32)
        txi = jnp.clip(tx, 0, _W - 1).astype(jnp.int32)
        PT = ((row_iota == tyi) & iy).astype(jnp.float32)
        Q = ((col_iota == txi) & ix).astype(jnp.float32)
        sy = ty + _SHADOW_OFFSET
        sx = tx + _SHADOW_OFFSET
        isy = (sy >= 0) & (sy <= _H - 1)
        isx = (sx >= 0) & (sx <= _W - 1)
        syi = jnp.clip(sy, 0, _H - 1).astype(jnp.int32)
        sxi = jnp.clip(sx, 0, _W - 1).astype(jnp.int32)
        PTs = ((row_iota == syi) & isy).astype(jnp.float32)
        Qs = ((col_iota == sxi) & isx).astype(jnp.float32)

        m = (labB == labj).astype(jnp.bfloat16) * okv.astype(jnp.bfloat16)
        mst = (base4 * m[None, :, :]).reshape(4 * _H, _W)
        big1 = jax.lax.dot_general(PT, mst, (((1,), (1,)), ((), ())),
                                   preferred_element_type=jnp.float32)
        big1 = big1.astype(jnp.bfloat16)
        for ch in range(4):
            tmp = big1[:, ch * _H:(ch + 1) * _H]
            acc_ref[ch] += jax.lax.dot_general(
                tmp, Q, (((1,), (0,)), ((), ())),
                preferred_element_type=jnp.float32)
        tmps = jax.lax.dot_general(PTs, m, (((1,), (1,)), ((), ())),
                                   preferred_element_type=jnp.float32)
        sh_ref[...] += jax.lax.dot_general(
            tmps.astype(jnp.bfloat16), Qs, (((1,), (0,)), ((), ())),
            preferred_element_type=jnp.float32)
        return 0

    jax.lax.fori_loop(0, _MAX_SEGMENTS, body, 0)

    den = acc_ref[3]
    fm = jnp.clip(den, 0.0, 1.0)
    sm = jnp.clip(sh_ref[...], 0.0, 1.0)
    dsafe = jnp.maximum(den, 1e-6)
    for ch in range(3):
        fc = acc_ref[ch] / dsafe
        o = imgA_ref[ch] * (1.0 - 0.5 * sm)
        out_ref[ch] = o * (1.0 - fm) + fm * fc


def _raster_pallas(base4, imgA3, labB, scf, sci, interpret=False):
    return pl.pallas_call(
        _raster_kernel_body,
        out_shape=jax.ShapeDtypeStruct((3, _H, _W), jnp.float32),
        in_specs=[
            pl.BlockSpec(memory_space=pltpu.VMEM),
            pl.BlockSpec(memory_space=pltpu.VMEM),
            pl.BlockSpec(memory_space=pltpu.VMEM),
            pl.BlockSpec(memory_space=pltpu.SMEM),
            pl.BlockSpec(memory_space=pltpu.SMEM),
        ],
        out_specs=pl.BlockSpec(memory_space=pltpu.VMEM),
        scratch_shapes=[
            pltpu.VMEM((4, _H, _W), jnp.float32),
            pltpu.VMEM((_H, _W), jnp.float32),
        ],
        interpret=interpret,
    )(base4, imgA3, labB, scf, sci)


def _seg_sums(lab, fiedler, m):
    num = _BIG + 1
    flat = lab.reshape(-1)
    ys, xs = jnp.meshgrid(jnp.arange(_H, dtype=jnp.float32),
                          jnp.arange(_W, dtype=jnp.float32), indexing='ij')
    yf = ys.reshape(-1)
    xf = xs.reshape(-1)
    f = fiedler.reshape(-1)
    mf_ = m.reshape(-1)
    data = jnp.stack([mf_, yf * mf_, xf * mf_, f * mf_, f * f * mf_,
                      (yf * yf + xf * xf) * mf_], axis=-1)
    return jax.ops.segment_sum(data, flat, num)


def _stats_from_sums(s):
    cnt = s[:, 0]
    c = jnp.maximum(cnt, 1.0)
    cy = s[:, 1] / c
    cx = s[:, 2] / c
    mf = s[:, 3] / c
    vf = jnp.maximum(s[:, 4] / c - mf * mf, 0.0)
    g2 = jnp.maximum(s[:, 5] / c - (cy * cy + cx * cx), 0.0)
    sig = jnp.stack([mf, jnp.sqrt(vf), jnp.sqrt(cnt) / _H, jnp.sqrt(g2) / _H],
                    axis=-1)
    return cy, cx, mf, sig


def _pipeline(img_A, img_B, fiedler_A, fiedler_B, gate_A, contours_A, interpret=False):
    h, w = _H, _W
    mask_A = jnp.logical_and(contours_A, gate_A < 0.5)
    mask_B = fiedler_B > jnp.mean(fiedler_B)
    masks = jnp.stack([mask_A, mask_B]).astype(jnp.int32)
    labs = _cc_pallas(masks, interpret=interpret)
    lab_A, lab_B = labs[0], labs[1]
    mA = mask_A.astype(jnp.float32)
    mB = mask_B.astype(jnp.float32)
    sumsA = _seg_sums(lab_A, fiedler_A, mA)
    sumsB = _seg_sums(lab_B, fiedler_B, mB)
    cntA = sumsA[:, 0].at[_BIG].set(0.0)
    cntB = sumsB[:, 0].at[_BIG].set(0.0)
    selA = jnp.where(cntA >= _MIN_PIXELS, cntA, 0.0)
    selB = jnp.where(cntB >= _MIN_PIXELS, cntB, 0.0)
    valsA, idsA = jax.lax.top_k(selA, _MAX_SEGMENTS)
    valsB, idsB = jax.lax.top_k(selB, _MAX_SEGMENTS)
    validA = valsA >= float(_MIN_PIXELS)
    validB = valsB >= float(_MIN_PIXELS)
    cayT, caxT, mfAT, sA = _stats_from_sums(sumsA[idsA])
    cbyT, cbxT, _, sB = _stats_from_sums(sumsB[idsB])
    dist = jnp.sum((sA[:, None, :] - sB[None, :, :]) ** 2, axis=-1)
    dist = dist + 1e9 * (1.0 - validB.astype(jnp.float32))[None, :]
    match = jnp.argmin(dist, axis=1)
    labB_sel = idsB[match]
    okv = (validA & validB[match]).astype(jnp.float32)
    cay = cayT
    cax = caxT
    cby = cbyT[match]
    cbx = cbxT[match]
    th = mfAT * math.pi
    tsin = _TRANSLATION_STRENGTH * jnp.sin(th)
    tcos = _TRANSLATION_STRENGTH * jnp.cos(th)
    scf = jnp.stack([cay, cax, cby, cbx, tsin, tcos, okv])
    sci = labB_sel.reshape(1, _MAX_SEGMENTS)
    base4 = jnp.concatenate(
        [jnp.moveaxis(img_B, -1, 0), jnp.ones((1, h, w), jnp.float32)])
    imgA3 = jnp.moveaxis(img_A, -1, 0)
    out3 = _raster_pallas(base4, imgA3, lab_B, scf, sci, interpret=interpret)
    return jnp.moveaxis(out3, 0, -1)


def kernel(img_A, img_B, fiedler_A, fiedler_B, gate_A, contours_A):
    mask_A = jnp.logical_and(contours_A, gate_A < 0.5)
    mask_B = fiedler_B > jnp.mean(fiedler_B)
    masks = jnp.stack([mask_A, mask_B]).astype(jnp.int32)
    labs = _cc_pallas(masks)
    num = _BIG + 1
    flat = labs[1].reshape(-1) + num
    ids2 = jnp.concatenate([labs[0].reshape(-1), flat])
    data2 = masks.astype(jnp.float32).reshape(-1)
    cnt2 = jax.ops.segment_sum(data2, ids2, 2 * num)
    cntA = cnt2[:num].at[_BIG].set(0.0)
    cntB = cnt2[num:].at[_BIG].set(0.0)
    selA = jnp.where(cntA >= _MIN_PIXELS, cntA, 0.0)
    selB = jnp.where(cntB >= _MIN_PIXELS, cntB, 0.0)
    valsA, idsA = jax.lax.top_k(selA, _MAX_SEGMENTS)
    valsB, idsB = jax.lax.top_k(selB, _MAX_SEGMENTS)
    return valsA + valsB + idsA.astype(jnp.float32) + idsB.astype(jnp.float32)

# --- scband reference (transcript-rebuilt; emitter-appended) ---
"""Pipeline reference for scband-spectral-cross-attention-67250597921252 (READ-ONLY COPY).

The authoritative reference and input builder live on the scoring server;
editing this copy changes nothing except your own understanding.
"""

import math
import jax, jax.numpy as jnp
import numpy as np

H = 512
W = 512
MAX_SEGMENTS = 50
MIN_PIXELS = 20
SHADOW_OFFSET = 7.0
TRANSLATION_STRENGTH = 20.0
CC_ITERS = 64


def _connected_components(mask):
    h, w = mask.shape
    big = h * w
    idx = jnp.arange(big, dtype=jnp.int32).reshape(h, w)
    lab = jnp.where(mask, idx, big)
    for _ in range(CC_ITERS):
        p = jnp.pad(lab, 1, constant_values=big)
        nb = jnp.minimum(jnp.minimum(p[:-2, 1:-1], p[2:, 1:-1]),
                         jnp.minimum(p[1:-1, :-2], p[1:-1, 2:]))
        lab = jnp.where(mask, jnp.minimum(lab, nb), big)
    return lab


def _segment_stats(lab, fiedler, mask):
    h, w = mask.shape
    num = h * w + 1
    flat = lab.reshape(-1)
    m = mask.reshape(-1).astype(jnp.float32)
    ys, xs = jnp.meshgrid(jnp.arange(h, dtype=jnp.float32),
                          jnp.arange(w, dtype=jnp.float32), indexing='ij')
    yf = ys.reshape(-1)
    xf = xs.reshape(-1)
    f = fiedler.reshape(-1)
    cnt = jax.ops.segment_sum(m, flat, num)
    sy = jax.ops.segment_sum(yf * m, flat, num)
    sx = jax.ops.segment_sum(xf * m, flat, num)
    sf = jax.ops.segment_sum(f * m, flat, num)
    sf2 = jax.ops.segment_sum(f * f * m, flat, num)
    sr2 = jax.ops.segment_sum((yf * yf + xf * xf) * m, flat, num)
    c = jnp.maximum(cnt, 1.0)
    cy = sy / c
    cx = sx / c
    mf = sf / c
    vf = jnp.maximum(sf2 / c - mf * mf, 0.0)
    g2 = jnp.maximum(sr2 / c - (cy * cy + cx * cx), 0.0)
    sig = jnp.stack([mf, jnp.sqrt(vf), jnp.sqrt(cnt) / h, jnp.sqrt(g2) / h], axis=-1)
    cnt = cnt.at[num - 1].set(0.0)
    return cnt, cy, cx, mf, sig


def _forward(img_A, img_B, fiedler_A, fiedler_B, gate_A, contours_A, eff=1.0):
    h, w = img_A.shape[0], img_A.shape[1]
    mask_A = jnp.logical_and(contours_A, gate_A < 0.5)
    mask_B = fiedler_B > jnp.mean(fiedler_B)
    lab_A = _connected_components(mask_A)
    lab_B = _connected_components(mask_B)
    cntA, cyA, cxA, mfA, sigA = _segment_stats(lab_A, fiedler_A, mask_A)
    cntB, cyB, cxB, mfB, sigB = _segment_stats(lab_B, fiedler_B, mask_B)
    selA = jnp.where(cntA >= MIN_PIXELS, cntA, 0.0)
    selB = jnp.where(cntB >= MIN_PIXELS, cntB, 0.0)
    valsA, idsA = jax.lax.top_k(selA, MAX_SEGMENTS)
    valsB, idsB = jax.lax.top_k(selB, MAX_SEGMENTS)
    validA = valsA >= float(MIN_PIXELS)
    validB = valsB >= float(MIN_PIXELS)
    sA = sigA[idsA]
    sB = sigB[idsB]
    dist = jnp.sum((sA[:, None, :] - sB[None, :, :]) ** 2, axis=-1)
    dist = dist + 1e9 * (1.0 - validB.astype(jnp.float32))[None, :]
    match = jnp.argmin(dist, axis=1)
    ys, xs = jnp.meshgrid(jnp.arange(h, dtype=jnp.float32),
                          jnp.arange(w, dtype=jnp.float32), indexing='ij')
    imgBf = img_B.reshape(-1, 3)
    front_num = jnp.zeros((h * w, 3), dtype=jnp.float32)
    front_den = jnp.zeros((h * w,), dtype=jnp.float32)
    shadow_den = jnp.zeros((h * w,), dtype=jnp.float32)
    for i in range(MAX_SEGMENTS):
        labA_i = idsA[i]
        j = match[i]
        labB_j = idsB[j]
        ok = jnp.logical_and(validA[i], validB[j]).astype(jnp.float32)
        cay = cyA[labA_i]
        cax = cxA[labA_i]
        cby = cyB[labB_j]
        cbx = cxB[labB_j]
        m = (lab_B == labB_j).astype(jnp.float32) * ok
        dy = ys - cby
        dx = xs - cbx
        th = mfA[labA_i] * math.pi
        ty = jnp.round(cay + dx + TRANSLATION_STRENGTH * jnp.sin(th))
        tx = jnp.round(cax - dy + TRANSLATION_STRENGTH * jnp.cos(th))
        inb = ((ty >= 0) & (ty <= h - 1) & (tx >= 0) & (tx <= w - 1)).astype(jnp.float32)
        wv = (m * inb).reshape(-1)
        ti = (jnp.clip(ty, 0, h - 1).astype(jnp.int32) * w
              + jnp.clip(tx, 0, w - 1).astype(jnp.int32)).reshape(-1)
        front_num = front_num.at[ti].add(imgBf * wv[:, None])
        front_den = front_den.at[ti].add(wv)
        sy = ty + SHADOW_OFFSET
        sx2 = tx + SHADOW_OFFSET
        sin_b = ((sy >= 0) & (sy <= h - 1) & (sx2 >= 0) & (sx2 <= w - 1)).astype(jnp.float32)
        si = (jnp.clip(sy, 0, h - 1).astype(jnp.int32) * w
              + jnp.clip(sx2, 0, w - 1).astype(jnp.int32)).reshape(-1)
        shadow_den = shadow_den.at[si].add((m * sin_b).reshape(-1))
    fm = jnp.clip(front_den, 0.0, 1.0).reshape(h, w, 1)
    fc = (front_num / jnp.maximum(front_den[:, None], 1e-6)).reshape(h, w, 3)
    sm = jnp.clip(shadow_den, 0.0, 1.0).reshape(h, w, 1)
    out = img_A * (1.0 - 0.5 * eff * sm)
    out = out * (1.0 - eff * fm) + eff * fm * fc
    return out


def setup_inputs(seed: int = 0):
    key = jax.random.key(seed)
    ks = jax.random.split(key, 6)
    img_A = jax.random.uniform(ks[0], (H, W, 3), dtype=jnp.float32)
    img_B = jax.random.uniform(ks[1], (H, W, 3), dtype=jnp.float32)
    fiedler_A = jax.random.normal(ks[2], (H, W), dtype=jnp.float32)
    fiedler_B = jax.random.normal(ks[3], (H, W), dtype=jnp.float32)
    gate_A = jax.random.uniform(ks[4], (H, W), dtype=jnp.float32)
    contours_A = jax.random.randint(ks[5], (H, W), 0, 2).astype(bool)
    return {"img_A": img_A, "img_B": img_B, "fiedler_A": fiedler_A,
            "fiedler_B": fiedler_B, "gate_A": gate_A, "contours_A": contours_A}


def reference(img_A, img_B, fiedler_A, fiedler_B, gate_A, contours_A):
    return _forward(img_A, img_B, fiedler_A, fiedler_B, gate_A, contours_A, eff=1.0)

if __name__ == "__main__":
    import jax
    _d = setup_inputs()
    print(jax.jit(kernel)(*tuple(_d.values())))

</pallas_src>

<mosaic_0001>
module attributes {stable_mosaic.version = 14 : i64} {
  func.func @_cc_kernel_body(%arg0: memref<2x512x512xi32, #tpu.memory_space<vmem>>, %arg1: memref<2x512x512xi32, #tpu.memory_space<vmem>>) attributes {dimension_semantics = [], scalar_prefetch = 0 : i64, scratch_operands = 0 : i64, tpu.core_type = #tpu.core_type<tc>} {
    %get3A = arith.constant 0 : index
    %get3A_0 = arith.constant 0 : index
    %get3A_1 = arith.constant 0 : index
    %get3A_2 = vector.load %arg0[%get3A, %get3A_0, %get3A_1] : memref<2x512x512xi32, #tpu.memory_space<vmem>>, vector<2x512x512xi32>
    %iota3A = tpu.iota {dimensions = array<i32: 1>} : vector<2x512x512xi32>
    %iota3A_3 = tpu.iota {dimensions = array<i32: 2>} : vector<2x512x512xi32>
    %mul3A = arith.constant 512 : i32
    %mul3A_4 = vector.broadcast %mul3A : i32 to vector<2x512x512xi32>
    %mul3A_5 = arith.muli %iota3A, %mul3A_4 : vector<2x512x512xi32>
    %add3A = arith.addi %mul3A_5, %iota3A_3 : vector<2x512x512xi32>
    %gt3A = arith.constant 0 : i32
    %gt3A_6 = vector.broadcast %gt3A : i32 to vector<2x512x512xi32>
    %gt3A_7 = arith.cmpi sgt, %get3A_2, %gt3A_6 : vector<2x512x512xi32>
    %jit3A = arith.constant 262144 : i32
    %broadcast_in_dim3A = vector.broadcast %jit3A : i32 to vector<2x512x512xi32>
    %select_n3A = arith.select %gt3A_7, %add3A, %broadcast_in_dim3A : vector<2x512x512xi1>, vector<2x512x512xi32>
    %scan3A = arith.constant 0 : i32
    %scan3A_8 = arith.constant 64 : i32
    %scan3A_9 = arith.addi %scan3A, %scan3A_8 : i32
    %scan3A_10 = arith.constant 1 : i32
    %scan3A_11 = scf.for %scan3A_15 = %scan3A to %scan3A_9 step %scan3A_10 iter_args(%scan3A_16 = %select_n3A) -> (vector<2x512x512xi32>)  : i32 {
      %jit3A_17 = arith.constant 262144 : i32
      %pad3A = vector.broadcast %jit3A_17 : i32 to vector<2x1x512xi32>
      %pad3A_18 = tpu.concatenate %pad3A, %scan3A_16 in 1 : vector<2x1x512xi32>, vector<2x512x512xi32> -> vector<2x513x512xi32>
      %pad3A_19 = vector.broadcast %jit3A_17 : i32 to vector<2x1x512xi32>
      %pad3A_20 = tpu.concatenate %pad3A_18, %pad3A_19 in 1 : vector<2x513x512xi32>, vector<2x1x512xi32> -> vector<2x514x512xi32>
      %pad3A_21 = vector.broadcast %jit3A_17 : i32 to vector<2x514x1xi32>
      %pad3A_22 = tpu.concatenate %pad3A_21, %pad3A_20 in 2 : vector<2x514x1xi32>, vector<2x514x512xi32> -> vector<2x514x513xi32>
      %pad3A_23 = vector.broadcast %jit3A_17 : i32 to vector<2x514x1xi32>
      %pad3A_24 = tpu.concatenate %pad3A_22, %pad3A_23 in 2 : vector<2x514x513xi32>, vector<2x514x1xi32> -> vector<2x514x514xi32>
      %slice3A = vector.extract_strided_slice %pad3A_24 {offsets = [0, 0, 1], sizes = [2, 512, 512], strides = [1, 1, 1]} : vector<2x514x514xi32> to vector<2x512x512xi32>
      %slice3A_25 = vector.extract_strided_slice %pad3A_24 {offsets = [0, 2, 1], sizes = [2, 512, 512], strides = [1, 1, 1]} : vector<2x514x514xi32> to vector<2x512x512xi32>
      %min3A = arith.minsi %slice3A, %slice3A_25 : vector<2x512x512xi32>
      %slice3A_26 = vector.extract_strided_slice %pad3A_24 {offsets = [0, 1, 0], sizes = [2, 512, 512], strides = [1, 1, 1]} : vector<2x514x514xi32> to vector<2x512x512xi32>
      %slice3A_27 = vector.extract_strided_slice %pad3A_24 {offsets = [0, 1, 2], sizes = [2, 512, 512], strides = [1, 1, 1]} : vector<2x514x514xi32> to vector<2x512x512xi32>
      %min3A_28 = arith.minsi %slice3A_26, %slice3A_27 : vector<2x512x512xi32>
      %min3A_29 = arith.minsi %min3A, %min3A_28 : vector<2x512x512xi32>
      %gt3A_30 = arith.constant 0 : i32
      %gt3A_31 = vector.broadcast %gt3A_30 : i32 to vector<2x512x512xi32>
      %gt3A_32 = arith.cmpi sgt, %get3A_2, %gt3A_31 : vector<2x512x512xi32>
      %min3A_33 = arith.minsi %scan3A_16, %min3A_29 : vector<2x512x512xi32>
      %jit3A_34 = arith.constant 262144 : i32
      %broadcast_in_dim3A_35 = vector.broadcast %jit3A_34 : i32 to vector<2x512x512xi32>
      %select_n3A_36 = arith.select %gt3A_32, %min3A_33, %broadcast_in_dim3A_35 : vector<2x512x512xi1>, vector<2x512x512xi32>
      scf.yield %select_n3A_36 : vector<2x512x512xi32>
    }
    %swap3A = arith.constant 0 : index
    %swap3A_12 = arith.constant 0 : index
    %swap3A_13 = arith.constant 0 : index
    %swap3A_14 = vector.load %arg1[%swap3A, %swap3A_12, %swap3A_13] : memref<2x512x512xi32, #tpu.memory_space<vmem>>, vector<2x512x512xi32>
    tpu.vector_store %arg1[%swap3A, %swap3A_12, %swap3A_13], %scan3A_11 {strides = array<i32>} : memref<2x512x512xi32, #tpu.memory_space<vmem>>, vector<2x512x512xi32>,
    return
  }
}

</mosaic_0001>

<sc_bundles>
// kernel: scatter_offload_async_start
scs
__scs_entry_jumppad:
0x0: {  	(pc) =	sbr.rel $0x88, $3  }
0x1: {  	(tag) =	ssettag $0x0;
	lr =	simm.s32 $0x1  }
0x2: {  	[smem:$0x3F9E] =	sst lr;
	_ =	strace $0xD0000000  }
0x3: {  	_ = 	snop  }
0x4: {  	_ = 	snop  }
0x5: {  	_ = 	snop  }
0x6: {  	_ = 	snop  }
0x7: {  	_ = 	snop  }
__scs_overlays_trampoline_lowered:
0x8: {  	[smem:$0x3FAD] =	sst s0  }
0x9: {  	[smem:$0x3FAE] =	sst s1  }
0xa: {  	[smem:$0x3FAF] =	sst s2  }
0xb: {  	[smem:$0x3FB0] =	sst s3  }
0xc: {  	[smem:$0x3FB1] =	sst s4  }
0xd: {  	[smem:$0x3FB2] =	sst s5  }
0xe: {  	[smem:$0x3FB3] =	sst s6  }
0xf: {  	[smem:$0x3FB4] =	sst s7  }
0x10: {  	[smem:$0x3FB5] =	sst s8  }
0x11: {  	[smem:$0x3FB6] =	sst s9;
	s0 =	simm.s32 @!p0 $0x0  }
0x12: {  	s1 =	sld [smem:$0x3F9C];
	s0 =	simm.s32 @p0 $0x1  }
0x13: {  	[smem:$0x3FB7] =	sst s0;
	s0 =	simm.s32 @!p1 $0x0  }
0x14: {  	s2 =	sld [smem:$0x3F9B];
	s0 =	simm.s32 @p1 $0x1  }
0x15: {  	[smem:$0x3FB8] =	sst s0;
	s0 =	simm.s32 @!p2 $0x0  }
0x16: {  	s3 =	sld [smem:$0x3FDB];
	s0 =	simm.s32 @p2 $0x1  }
0x17: {  	s4 =	simm.s32 $0x1BF5;
	[smem:$0x3FBA] =	sst s0  }
0x18: {  	s0 =	sld [smem:$0x3F9D];
	_ =	swait.ge [sflag:s4], $0x0  }
0x19: {  	s7 =	sld [smem:$0x3F9E]  }
0x1a: {  	s8 =	sadd.s32 $0xFFFFE003, lr  }
0x1b: {  	s9 =	sadd.s32 $0xFFFFFEF7, lr;
	s5 =	simm.s32 $0xFFFFFFFF;
	p2 =	slt.u32 s8, $0xFFFFF086  }
0x1c: {  	p1 =	slt.u32 s9, $0xF7A;
	s5 =	simm.s32 @!p2 $0x0  }
0x1d: {  	s5 =	simm.s32 @p1 $0x1;
	p0 =	seq.s32 s7, s2  }
0x1e: {  	s7 =	smul.u32 @!p0 $0xF7A, s2;
	p2 =	seq.s32 @!p0 s5, $0x0  }
0x1f: {  	s9 =	smul.u32 $0xF7A, s1;
	s8 =	simm.s32 @!p0 $0x1BF5;
	p2 =	por !p2, p0  }
0x20: {  	[sflag:s8] =	ssyncset.s32 @!p0 $0xFFFFF086;
	s6 =	sadd.s32 @!p0 s3, s7;
	s7 =	simm.s32 @!p0 $0x108  }
0x21: {  	s3 =	sadd.s32 s3, s9;
	s6 =	sadd.s32 @!p0 $0x88, s6;
	s7 =	simm.s32 @p2 $0x1082  }
0x22: {  	[simem:s7], [sflag:s8] =	dma.local @!p0 [hbm:s6], $0xF7A  }
0x23: {  	s9 =	sor.u32 $0xD0000000, s2;
	s6 =	simm.s32 $0x108;
	_ =	swait.ge @!p0 [sflag:s8], $0x0  }
0x24: {  	s3 =	sadd.s32 $0x88, s3;
	s6 =	simm.s32 @!p1 $0x1082;
	[sflag:s4] =	ssyncset.s32 $0xFFFFF086  }
0x25: {  	[simem:s6], [sflag:s4] =	dma.local [hbm:s3], $0xF7A  }
0x26: {  	[smem:$0x3F9E] =	sst s1;
	(tag) =	ssettag s2;
	_ =	strace s9  }
0x27: {  	s1 =	sld [smem:$0x3FAE]  }
0x28: {  	s2 =	sld [smem:$0x3FAF]  }
0x29: {  	s4 =	sld [smem:$0x3FB1]  }
0x2a: {  	p0 =	seq.s32 s5, $0x0;
	s5 =	sld [smem:$0x3FB2]  }
0x2b: {  	s6 =	sld [smem:$0x3FB3]  }
0x2c: {  	s7 =	sld [smem:$0x3FB4]  }
0x2d: {  	s3 =	simm.s32 $0x108;
	s8 =	sld [smem:$0x3FB5]  }
0x2e: {  	s3 =	simm.s32 @!p0 $0x1082;
	s9 =	sld [smem:$0x3FB6]  }
0x2f: {  	lr =	sadd.s32 s0, s3;
	s0 =	sld [smem:$0x3FAD]  }
0x30: {  	s3 =	sld [smem:$0x3FB0]  }
0x31: {  	[smem:$0x3FB9] =	sst s10  }
0x32: {  	s10 =	sld [smem:$0x3FB7];
	_ =	sdelay $0x3  }
0x33: {  	p0 =	seq.s32 s10, $0x1;
	s10 =	sld [smem:$0x3FB9];
	_ =	sdelay $0x3  }
0x34: {  	[smem:$0x3FB9] =	sst s10  }
0x35: {  	s10 =	sld [smem:$0x3FB8];
	_ =	sdelay $0x3  }
0x36: {  	p1 =	seq.s32 s10, $0x1;
	s10 =	sld [smem:$0x3FB9];
	_ =	sdelay $0x3  }
0x37: {  	[smem:$0x3FB9] =	sst s10  }
0x38: {  	s10 =	sld [smem:$0x3FBA]  }
0x39: {  	_ = 	snop;
	(pc) =	sbr.ind lr, $3  }
0x3a: {  	_ = 	snop  }
0x3b: {  	_ = 	snop  }
0x3c: {  	p2 =	seq.s32 s10, $0x1;
	s10 =	sld [smem:$0x3FB9]  }
0x3d: {  	_ =	shalt  }
0x3e: {  	_ =	shalt  }
0x3f: {  	_ =	shalt  }
0x40: {  	_ =	shalt  }
0x41: {  	_ =	shalt  }
0x42: {  	_ =	shalt  }
0x43: {  	_ =	shalt  }
0x44: {  	_ =	shalt  }
0x45: {  	_ =	shalt  }
0x46: {  	_ =	shalt  }
0x47: {  	_ =	shalt  }
0x48: {  	_ =	shalt  }
0x49: {  	_ =	shalt  }
0x4a: {  	_ =	shalt  }
0x4b: {  	_ =	shalt  }
0x4c: {  	_ =	shalt  }
0x4d: {  	_ =	shalt  }
0x4e: {  	_ =	shalt  }
0x4f: {  	_ =	shalt  }
0x50: {  	_ =	shalt  }
0x51: {  	_ =	shalt  }
0x52: {  	_ =	shalt  }
0x53: {  	_ =	shalt  }
0x54: {  	_ =	shalt  }
0x55: {  	_ =	shalt  }
0x56: {  	_ =	shalt  }
0x57: {  	_ =	shalt  }
0x58: {  	_ =	shalt  }
0x59: {  	_ =	shalt  }
0x5a: {  	_ =	shalt  }
0x5b: {  	_ =	shalt  }
0x5c: {  	_ =	shalt  }
0x5d: {  	_ =	shalt  }
0x5e: {  	_ =	shalt  }
0x5f: {  	_ =	shalt  }
0x60: {  	_ =	shalt  }
0x61: {  	_ =	shalt  }
0x62: {  	_ =	shalt  }
0x63: {  	_ =	shalt  }
0x64: {  	_ =	shalt  }
0x65: {  	_ =	shalt  }
0x66: {  	_ =	shalt  }
0x67: {  	_ =	shalt  }
0x68: {  	_ =	shalt  }
0x69: {  	_ =	shalt  }
0x6a: {  	_ =	shalt  }
0x6b: {  	_ =	shalt  }
0x6c: {  	_ =	shalt  }
0x6d: {  	_ =	shalt  }
0x6e: {  	_ =	shalt  }
0x6f: {  	_ =	shalt  }
0x70: {  	_ =	shalt  }
0x71: {  	_ =	shalt  }
0x72: {  	_ =	shalt  }
0x73: {  	_ =	shalt  }
0x74: {  	_ =	shalt  }
0x75: {  	_ =	shalt  }
0x76: {  	_ =	shalt  }
0x77: {  	_ =	shalt  }
0x78: {  	_ =	shalt  }
0x79: {  	_ =	shalt  }
0x7a: {  	_ =	shalt  }
0x7b: {  	_ =	shalt  }
0x7c: {  	_ =	shalt  }
0x7d: {  	_ =	shalt  }
0x7e: {  	_ =	shalt  }
0x7f: {  	_ =	shalt  }
0x80: {  	_ =	shalt  }
0x81: {  	_ =	shalt  }
0x82: {  	_ =	shalt  }
0x83: {  	_ =	shalt  }
0x84: {  	_ =	shalt  }
0x85: {  	_ =	shalt  }
0x86: {  	_ =	shalt  }
0x87: {  	_ =	shalt  }
.Lfunc_end0:
.L_simem_size_0:
called_computation_lowered:
.L_overlay_start_0:
0x88: {  	s0 =	sld [smem:$0x3FD9]  }
0x89: {  	s1 =	sld [smem:$0x3FFE];
	_ =	sdelay $0x3  }
0x8a: {  	s0 =	sadd.s32 s1, s0  }
0x8b: {  	[smem:$0x3FC5] =	sst s0  }
0x8c: {  	_ = 	snop  }
0x8d: {  	(tm) =	ssettm $0x1  }
0x8e: {  	s15 =	sld [smem:$0x3FFB];
	_ =	sdelay $0x3  }
0x8f: {  	_ =	strace s15  }
0x90: {  	s0 =	sld [smem:$0x3FFC];
	_ =	sdelay $0x3  }
0x91: {  	_ =	strace s0  }
0x92: {  	s0 =	sld [smem:$0x3FFD];
	_ =	sdelay $0x3  }
0x93: {  	_ =	strace s0  }
0x94: {  	_ =	strace $0x8FFFFFFF  }
0x95: {  	s16 =	sld [smem:$0x3FDB];
	_ =	sdelay $0x1  }
0x96: {  	s17 =	simm.s32 $_scs_section_size  }
0x97: {  	s2 =	simm.s32 $_size__tile_overlayer_lowered;
	s3 =	simm.s32 $_tile_overlayer_lowered  }
0x98: {  	s20 =	simm.s32 $0x1BFF;
	s19 =	sshll.u32 s3, $0x1;
	s0 =	sadd.s32 s17, s16  }
0x99: {  	s4 =	simm.s32 $0x0;
	s18 =	sshll.u32 s2, $0x1;
	s2 =	sadd.s32 s19, s0  }
0x9a: {  	[timem:s4], [sflag:s20] =	dma.local [hbm:s2], s18  }
0x9b: {  	_ =	swait.ge [sflag:s20], s18  }
0x9c: {  	s1 =	ssub.s32 $0x0, s18;
	[sflag:s20] =	ssyncset.done $0x0  }
0x9d: {  	[sflag:s20] =	ssyncadd.s32 s1;
	_ =	sdelay $0x1  }
0x9e: {  	s21 =	simm.s32 $0x1B8B  }
0x9f: {  	_ =	swait.ge [sflag:s21], $0x1  }
0xa0: {  	[sflag:s21] =	ssyncset.done $0x0  }
0xa1: {  	s23 =	simm.s32 $0x1B8E;
	s22 =	sld [smem:$0x3FFE];
	[sflag:s21] =	ssyncadd.s32 $0xFFFFFFFF  }
0xa2: {  	s24 =	simm.s32 $execute0_lowered;
	[smem:$0x3FD2] =	sst s23  }
0xa3: {  	s2 =	sshll.u32 s24, $0x1;
	_ =	strace $0x80000046;
	[dreg:$0x1] =	wrdreg $0xFFFFFFFF  }
0xa4: {  	s25 =	simm.s32 $_size_execute0_lowered;
	s0 =	sadd.s32 s0, s2;
	[dreg:$0x0] =	wrdreg $0x0  }
0xa5: {  	s2 =	sshll.u32 s25, $0x1;
	[dreg:$0x2] =	wrdreg s0  }
0xa6: {  	[dreg:$0x3] =	wrdreg s2  }
0xa7: {  	[dreg:$0x4] =	wrdreg $0xC0  }
0xa8: {  	_ =	task [dreg:s4], $0x5FFFF  }
0xa9: {  	[dreg:$0x1] =	wrdreg $0xFFFFFFFF  }
0xaa: {  	[dreg:$0x0] =	wrdreg $0x60  }
0xab: {  	[dreg:$0x2] =	wrdreg s22  }
0xac: {  	[dreg:$0x3] =	wrdreg $0x9  }
0xad: {  	_ =	task.clear_ibuf [dreg:s4], $0x4FFFF;
	_ =	strace $0x90000046  }
0xae: {  	s26 =	simm.s32 $0x9;
	_ =	strace $0x80000048  }
0xaf: {  	_ =	swait.ge [sflag:s26], $0x1  }
0xb0: {  	[sflag:s26] =	ssyncadd.s32 $0xFFFFFFFF  }
0xb1: {  	_ =	strace $0x90000048  }
0xb2: {  	_ =	sfence  }
0xb3: {  	s28 =	sld [smem:$0x0];
	_ =	sdelay $0x1  }
0xb4: {  	s29 =	srdreg.scid  }
0xb5: {  	s30 =	sshll.u32 s29, $0xD;
	s31 =	sshrl.u32 s29, $0x2  }
0xb6: {  	s1 =	sand.u32 $0x1, s29;
	s2 =	sand.u32 $0x4000, s30;
	s0 =	sadd.s32 s31, s28  }
0xb7: {  	s1 =	sor.u32 s2, s1;
	s0 =	sshll.u32 s0, $0x11  }
0xb8: {  	s0 =	sor.u32 s0, s1  }
0xb9: {  	s0 =	sadd.s32 $0x8F2B, s0  }
0xba: {  	[sflag:s0] =	ssyncadd.remote.s32 $0x1  }
0xbb: {  	_ =	sfence.sel $0xFFFF  }
0xbc: {  	[dreg:$0x0] =	wrdreg $0xFFFFFFFF;
	(pc) =	sbr.abs _section_cstart, $3  }
0xbd: {  	[dreg:$0x1] =	wrdreg $0xFFFFFFFF  }
0xbe: {  	_ =	task.clear_ibuf [dreg:s4], $0x2FFFF;
	_ =	strace $0x9FFFFFFF  }
0xbf: {  	(tm) =	ssettm $0x7FFFFFFF  }
tec
execute0_lowered:
.L_overlay_start_1:
0x0: {  	(tag) =	ssettag $0x1  }
0x1: {  	s2 =	rddreg [dreg:$0x0]  }
0x2: {  	s0 =	rddreg [dreg:$0x1];
	_ =	strace $0x80000047;
	s3 =	simm.s32 $0x1  }
0x3: {  	v1 =	vimm.s32 $0xFFFFFFFF;
	[sflag:s3] =	ssyncpa.u1 $0x0  }
0x4: {  	[tilespmem:$0x10] =	vst v1  }
0x5: {  	v0 =	vimm.f32 $0.0e+00;
	[tilespmem:$0x20] =	vst v1  }
0x6: {  	[tilespmem:$0x30] =	vst v0  }
0x7: {  	[tilespmem:$0x40] =	vst v0  }
0x8: {  	[tilespmem:$0x50] =	vst v0  }
0x9: {  	s4 =	simm.s32 $0x2;
	[tilespmem:$0x60] =	vst v1  }
0xa: {  	s6 =	simm.s32 $0x7;
	s7 =	simm.s32 $0x8;
	s10 =	simm.s32 $0x9;
	[tilespmem:$0x70] =	vst v1  }
0xb: {  	s14 =	simm.s32 $0x0;
	s15 =	simm.s32 $0xFFFFE000;
	p0 =	por $0x0, $0x0;
	[tilespmem:$0x80] =	vst v1  }
0xc: {  	s16 =	simm.s32 $0xFFFFC100;
	s17 =	simm.s32 $0xFFFFFFFE;
	s18 =	simm.s32 $0xF;
	v1 =	vimm.s32 $0x0;
	[tilespmem:$0xB0] =	vst v0  }
0xd: {  	s19 =	simm.s32 $0x30;
	s22 =	simm.s32 $0x0;
	s20 =	simm.s32 $0x0;
	[tilespmem:$0x90] =	vst v1  }
.Ltmp0:
0xe: {  	s1 =	sadd.s32 $0x20000, s2;
	[tilespmem:$0xA0] =	vst v1;
	[sflag:s4] =	ssyncpa.u1 $0x0;
	(pc) =	sbr.rel .LBB2_1-.Ltmp0, $4  }
0xf: {  	s5 =	sadd.s32 $0x10000, s2;
	s4 =	stileid.u32;
	[sflag:s6] =	ssyncpa.u1 $0x0  }
0x10: {  	s8 =	sshll.u32 s4, $0xF;
	s12 =	sshllo.u32 s4, $0x1;
	[sflag:s7] =	ssyncpa.u1 $0x0  }
0x11: {  	vm0 =	vmmov $0xffff;
	v2 =	vlaneseq.u32;
	s9 =	sadd.s32 $0x8000, s8;
	[sflag:s10] =	ssyncpa.u1 $0x0;
	s10 =	sshll.u32 s4, $0x1  }
0x12: {  	vm1 =	vmxor vm1, vm1;
	vm2 =	vmmov $0x1;
	vm3 =	vcmask $0x3F3C;
	s21 =	smov.u32 s8;
	s11 =	sor.u32 $0x81, s10;
	s13 =	sor.u32 $0x80, s10  }
.LBB2_10:
0x13: {  	p1 =	slt.u32 s20, $0x3  }
0x14: {  	s22 =	simm.s32 @!p1 $0x2  }
0x15: {  	_ =	swait.ge @!p1 [sflag:s22], $0x2000  }
0x16: {  	[sflag:s22] =	ssyncset.done @!p1 $0x0  }
0x17: {  	[sflag:s22] =	ssyncadd.s32 @!p1 $0xFFFFE000;
	s22 =	simm.s32 @!p1 $0x9  }
0x18: {  	_ =	swait.ge @!p1 [sflag:s22], $0x10  }
0x19: {  	s23 =	sadd.s32 $0x2000, s21;
	s24 =	smov.u32 s8;
	[sflag:s22] =	ssyncset.done @!p1 $0x0  }
0x1a: {  	s20 =	sadd.s32 $0x1, s20;
	[sflag:s22] =	ssyncadd.s32 @!p1 $0xFFFFFFF0;
	p1 =	slt.s32 s23, s9  }
0x1b: {  	s24 =	smov.u32 @p1 s23;
	p1 =	sne.s32 s20, $0x7  }
.Ltmp1:
0x1c: {  	_ = 	snop;
	(pc) =	sbr.rel @!p1 .LBB2_11-.Ltmp1, $3  }
0x1d: {  	_ =	sdelay $0x1  }
0x1e: {  	s15 =	sadd.s32 $0x2000, s15;
	p0 =	por !p0, !p0;
	s16 =	sadd.s32 $0x2000, s16  }
0x1f: {  	s17 =	sadd.s32 $0x1, s17;
	s22 =	smov.u32 s21;
	s21 =	smov.u32 s24  }
.LBB2_1:
0x20: {  	p1 =	sgt.u32 s20, $0x3  }
0x21: {  	p2 =	seq.s32 @!p1 s20, $0x3  }
0x22: {  	s23 =	sshll.u32 @!p1 s20, $0xF;
	p2 =	por !p2, p1  }
0x23: {  	s23 =	simm.s32 @!p2 $0x0  }
0x24: {  	s24 =	sshrl.u32 @!p1 s21, $0x3;
	s23 =	sshrl.u32 @!p1 s23, $0x2  }
0x25: {  	s25 =	sand.u32 @!p1 $0x7, s21;
	s24 =	sadd.s32 @!p1 s2, s24;
	s23 =	sor.u32 @!p1 $0x100, s23  }
0x26: {  	[tilespmem:s23], [sflag:$0x7] =	stream.linear.gather @!p1 [hbm4b:s24+s25], $0x2000, $0x38;
	[tilespmem:$0x12120] =	vst v63  }
0x27: {  	s24 =	sadd.s32 $0xFFFFFFFF, s20  }
0x28: {  	p1 =	sgt.u32 s24, $0x3  }
.Ltmp2:
0x29: {  	_ = 	snop;
	(pc) =	sbr.rel @p1 .LBB2_5-.Ltmp2, $1  }
0x2a: {  	_ =	sdelay $0x3  }
0x2b: {  	s23 =	sadd.s32 $0x1FFFC, s20;
	p1 =	seq.s32 s24, $0x3;
	s25 =	smov.u32 s24  }
0x2c: {  	s25 =	smov.u32 @p1 s23  }
0x2d: {  	s23 =	sshll.u32 s25, $0xF  }
0x2e: {  	_ =	swait.ge [sflag:s6], $0x2000;
	s23 =	sshra.s32 s23, $0x2  }
0x2f: {  	[sflag:s6] =	ssyncset.done $0x0;
	s28 =	sor.u32 $0x100, s23  }
0x30: {  	[sflag:s6] =	ssyncadd.s32 $0xFFFFE000;
	(ifvalue) =	ssetifvalue $0xFFFFFFFF;
	v3 =	vld.msk [tilespmem:s28+$0x0 ss:$0x1], $0xffff;
	_ =	sdelay $0x2  }
0x31: {  	p1 =	sne.s32 s20, $0x1  }
0x32: {  	v4 =	vimm.s32 @!p1 $0x0  }
0x33: {  	v4 =	vperm.xlane @!p1 v3, v4  }
0x34: {  	s29 =	sshll.u32 s20, $0x4;
	vm4 =	vlt.u32 v3, $0x80400  }
0x35: {  	s25 =	sand.u32 $0x10, s29;
	v3 =	vnsel vm4, $0xFFFFFFFE, v3;
	vm4 =	vlt.u32 @!p1 v4, $0x80400  }
0x36: {  	[tilespmem:s25+$0x60] =	vst v3;
	v3 =	vnsel @!p1 vm4, $0xFFFFFFFE, v4  }
0x37: {  	s28 =	sadd.s32 $0x20F0, s23;
	[tilespmem:$0x80] =	vst @!p1 v3  }
0x38: {  	v3 =	vld.msk [tilespmem:s28+$0x0 ss:$0x1], $0xffff;
	_ =	sdelay $0x4  }
0x39: {  	(xrf1) =	vunique.msk.u32 $0xffff, v3;
	_ =	sdelay $0xd  }
0x3a: {  	v4 =	vimm.s32 $0xFFFFFFFF;
	v5, _, _ =	vpop (xrf1)  }
0x3b: {  	vm5 =	vne.s32 v3, v4;
	vm4 =	veq.s32 v5, v2  }
0x3c: {  	vm6 =	vlt.u32 v3, $0x80400;
	vm4 =	vmand vm5, vm4  }
0x3d: {  	vm4 =	vmand vm6, vm4  }
0x3e: {  	v4 =	vnsel vm4, $0xFFFFFFFF, v3;
	_ =	sdelay $0x2  }
0x3f: {  	s30 =	sand.u32 $0x2000, s15  }
0x40: {  	s31 =	sshll.u32 s24, $0xD;
	s23 =	sor.u32 $0x80F0, s30;
	(ifvalue) =	ssetifvalue $0xFFFFFFFF  }
0x41: {  	v3 =	vperm.xlane v3, v1;
	[tilespmem:s23], [sflag:$0x8] =	stream.indirect_vreg.gather [hbm4b:s1+s14], $0x1, v4, vm0, $0x4038;
	v4 =	vnsel vm6, $0xFFFFFFFE, v4;
	[tilespmem:$0x12120] =	vst v63  }
0x42: {  	s24 =	sand.u32 $0x2000, s31;
	s26 =	sadd.s32 $0xFFFFFFF0, s28;
	s25 =	simm.s32 $0x0;
	[tilespmem:s28+$0x0] =	vst v4  }
.LBB2_3:
0x43: {  	v4 =	vld.msk [tilespmem:s26+$0x0 ss:$0x1], $0xffff;
	s25 =	sadd.s32 $0x10, s25;
	v5 =	vmov v3;
	s28 =	smov.u32 s26  }
0x44: {  	p1 =	slt.u32 s25, $0x1FF0;
	_ =	sdelay $0x4  }
0x45: {  	v3 =	vperm.xlane v4, v1;
	(xrf1) =	vunique.msk.u32 $0xffff, v4;
	_ =	sdelay $0xd  }
0x46: {  	v6, _, _ =	vpop (xrf1)  }
0x47: {  	vm5 =	vne.s32 v4, v5;
	vm4 =	veq.s32 v6, v2  }
0x48: {  	vm6 =	vlt.u32 v4, $0x80400;
	vm4 =	vmand vm5, vm4  }
0x49: {  	vm4 =	vmand vm6, vm4  }
0x4a: {  	v4 =	vnsel vm4, $0xFFFFFFFF, v4  }
.Ltmp3:
0x4b: {  	v5 =	vnsel vm6, $0xFFFFFFFE, v4;
	(pc) =	sbr.rel @p1 .LBB2_3-.Ltmp3, $3  }
0x4c: {  	_ =	sdelay $0x1  }
0x4d: {  	s26 =	sadd.s32 $0xFFFFFFF0, s26;
	s23 =	sadd.s32 $0xFFFFFFF0, s23;
	(ifvalue) =	ssetifvalue $0xFFFFFFFF  }
0x4e: {  	[tilespmem:s23], [sflag:$0x8] =	stream.indirect_vreg.gather [hbm4b:s1+s14], $0x1, v4, vm0, $0x4038;
	[tilespmem:s28+$0x0] =	vst v5  }
0x4f: {  	s22 =	sshrl.u32 s22, $0x3  }
0x50: {  	s23 =	sadd.s32 $0xA100, s24;
	s22 =	sadd.s32 s5, s22  }
0x51: {  	[tilespmem:s23], [sflag:$0x8] =	stream.linear.gather [hbm:s22], $0x2000, $0x38;
	[tilespmem:$0x12120] =	vst v63  }
.LBB2_5:
0x52: {  	p1 =	sgt.u32 s20, $0x6  }
.Ltmp4:
0x53: {  	_ = 	snop;
	(pc) =	sbr.rel @p1 .LBB2_7-.Ltmp4, $1  }
0x54: {  	_ =	sdelay $0x3  }
0x55: {  	s22 =	sshll.u32 s3, s20  }
0x56: {  	s22 =	sand.u32 $0x43, s22  }
0x57: {  	p1 =	sne.s32 s22, $0x0  }
.Ltmp5:
0x58: {  	_ = 	snop;
	(pc) =	sbr.rel @p1 .LBB2_10-.Ltmp5, $1  }
0x59: {  	_ =	sdelay $0x3  }
.LBB2_7:
0x5a: {  	s22 =	sadd.s32 $0xFFFFFFFE, s20  }
0x5b: {  	s23 =	smulhi.u32 $0xAAAAAAAB, s22;
	_ =	sdelay $0x1  }
0x5c: {  	s23 =	sshrl.u32 s23, $0x1  }
0x5d: {  	s23 =	smul.u32 $0x3, s23;
	_ =	sdelay $0x1  }
0x5e: {  	_ =	swait.ge [sflag:s7], $0x4000;
	s22 =	ssub.s32 s22, s23  }
0x5f: {  	p1 =	sne.s32 s20, $0x5;
	[sflag:s7] =	ssyncset.done $0x0;
	s26 =	sshll.u32 s22, $0xD  }
0x60: {  	[sflag:s7] =	ssyncadd.s32 $0xFFFFC000;
	s22 =	sadd.s32 @!p1 $0x20FF, s26  }
0x61: {  	[spmem:s11] =	stream.linear.scatter @!p1 [tilespmem:s22], [sflag:$0x1], $0x1, $0x38;
	[tilespmem:$0x12120] =	vst v63  }
0x62: {  	s22 =	simm.s32 @!p1 $0x1  }
0x63: {  	_ =	swait.ge @!p1 [sflag:s22], $0x1  }
0x64: {  	s25 =	sshll.u32 s20, $0x4;
	[sflag:s22] =	ssyncset.done @!p1 $0x0  }
0x65: {  	[sflag:s22] =	ssyncadd.s32 @!p1 $0xFFFFFFFF;
	s22 =	sand.u32 $0x10, s25  }
0x66: {  	v4 =	vld [tilespmem:s22+$0x10];
	s28 =	sxor.u32 $0x10, s22  }
0x67: {  	v5 =	vld [tilespmem:s28+$0x60]  }
0x68: {  	v3 =	vld [tilespmem:$0x80];
	_ =	sdelay $0x2  }
0x69: {  	(v2sf) =	vpush v4, $0x0  }
0x6a: {  	(v2sf) =	vpush v5, $0x0  }
0x6b: {  	(v2sf) =	vpush v3, $0x0;
	_ =	sdelay $0xc  }
0x6c: {  	s23 =	spop (v2sf)  }
0x6d: {  	s25 =	spop (v2sf)  }
0x6e: {  	s24 =	spop (v2sf)  }
0x6f: {  	p2 =	seq.s32 s23, s25;
	p3 =	seq.s32 s24, s23  }
0x70: {  	p3 =	por p2, p3  }
0x71: {  	v4 =	vpsel p3, $0xFFFFFFFF, v4  }
0x72: {  	s23 =	sand.u32 $0x1, s20;
	[tilespmem:s22+$0x10] =	vst.msk $0x1, v4  }
0x73: {  	s25 =	sshll.u32 s23, $0xD;
	v4 =	vld [tilespmem:$0x30]  }
0x74: {  	v5 =	vld [tilespmem:s25+$0xA100]  }
0x75: {  	v6 =	vld [tilespmem:s22+$0x40];
	_ =	sdelay $0x3  }
0x76: {  	vm4 =	vmmov vm1;
	v5 =	vadd.f32 v5, v4  }
0x77: {  	vm5 =	vmmov vm2;
	vm4 =	vmmov @p2 vm2;
	s23 =	sshll.u32 s23, $0x4;
	v4 =	vadd.f32 v6, v4  }
0x78: {  	vm5 =	vmmov @p3 vm1;
	s23 =	sor.u32 $0x12100, s23;
	[tilespmem:s25+$0xA100] =	vst.msk vm4, v5  }
0x79: {  	[tilespmem:s23+$0x0] =	vst.msk vm5, v4  }
0x7a: {  	v4 =	vld [tilespmem:s25+$0x80F0];
	_ =	sdelay $0x3  }
0x7b: {  	v5 =	vimm.f32 $0.0e+00  }
0x7c: {  	v4 =	vshift.insert v4, v5, s18  }
0x7d: {  	s29 =	sor.u32 $0x40, s28  }
0x7e: {  	[tilespmem:s29+$0x0] =	vst.msk $0x1, v4  }
0x7f: {  	[tilespmem:s25+$0x80FF] =	vst.msk $0x1, v5  }
0x80: {  	v4 =	vld [tilespmem:s26+$0x20F0];
	_ =	sdelay $0x1  }
0x81: {  	s26 =	smulhi.u32 $0xAAAAAAAB, s17;
	_ =	sdelay $0x1  }
0x82: {  	s29 =	simm.s32 $0x1;
	s26 =	sshrl.u32 s26, $0x1  }
0x83: {  	s29 =	simm.s32 @!p0 $0x0;
	s30 =	smul.u32 $0xFFFE8000, s26;
	v4 =	vshift.insert v4, v1, s18  }
0x84: {  	s29 =	sshll.u32 s29, $0xD  }
0x85: {  	s26 =	sadd.s32 $0xA100, s29;
	s30 =	sshra.s32 s30, $0x2;
	[tilespmem:s28+$0x10] =	vst.msk $0x1, v4  }
0x86: {  	s31 =	sadd.s32 s30, s16;
	v6 =	vld [tilespmem:s26+$0x0]  }
0x87: {  	v7 =	vld [tilespmem:s31+$0x0];
	_ =	sdelay $0x3  }
0x88: {  	v5 =	vadd.f32 v6, v5  }
0x89: {  	vm4 =	vne.s32 v7, $0xFFFFFFFF  }
0x8a: {  	(xrf2) =	vadd.seg.scan.f32 vm4, v5;
	_ =	sdelay $0x3  }
0x8b: {  	s28 =	sadd.s32 $0x6100, s29;
	v5 =	vperm.xlane v4, v1  }
0x8c: {  	v6 =	vld [tilespmem:s28+$0x0]  }
0x8d: {  	vm5 =	veq.s32 v7, v3;
	vm6 =	veq.s32 v7, v5  }
0x8e: {  	vm7 =	vgt.u32 v7, $0xFFFFFFFD;
	vm6 =	vmor vm6, vm5  }
0x8f: {  	vm6 =	vmor vm6, vm7  }
0x90: {  	v9 =	vld [tilespmem:$0xA0];
	v7 =	vsel vm6, $0xFFFFFFFF, v7  }
0x91: {  	v10 =	vld [tilespmem:$0x90];
	v6 =	vsel vm5, $0x0, v6;
	v8, _, _ =	vpop (xrf2)  }
0x92: {  	v6 =	vadd.f32 v8, v6  }
0x93: {  	s29 =	sadd.s32 $0xE100, s29  }
0x94: {  	vm4 =	vmand vm4, vm3;
	[tilespmem:s29+$0x0] =	vst v6;
	(ifvalue) =	ssetifvalue $0xFFFFFFFF  }
0x95: {  	vm6 =	veq.s32 v9, $0x1;
	[hbm4b:s1+s14] =	stream.indirect_vreg.scatter [tilespmem:s29], [sflag:$0x2], $0x1, v7, vm0, $0x4038;
	v7 =	vsel vm4, $0x0, v8;
	[tilespmem:$0x12120] =	vst v63  }
0x96: {  	s30 =	simm.s32 $0x0;
	s31 =	sadd.s32 $0x10, s31;
	vm4 =	vmor vm6, vm5;
	v6 =	vsel vm5, v8, v10;
	v7 =	vshift.insert v7, v0, s18  }
.LBB2_8:
0x97: {  	v8 =	vld [tilespmem:s31+$0x0];
	s26 =	sadd.s32 $0x10, s26  }
0x98: {  	s28 =	sadd.s32 $0x10, s28;
	v9 =	vld [tilespmem:s26+$0x0]  }
0x99: {  	s30 =	sadd.s32 $0x10, s30;
	v10 =	vld [tilespmem:s28+$0x0]  }
0x9a: {  	p2 =	slt.u32 s30, $0x1FF0;
	_ =	sdelay $0x2  }
0x9b: {  	v7 =	vadd.f32 v9, v7  }
0x9c: {  	vm5 =	vne.s32 v8, $0xFFFFFFFF  }
0x9d: {  	vm6 =	vmand vm5, vm3;
	(xrf2) =	vadd.seg.scan.f32 vm5, v7;
	_ =	sdelay $0x5  }
0x9e: {  	vm7 =	veq.s32 v8, v5;
	vm5 =	veq.s32 v8, v3  }
0x9f: {  	vm8 =	vgt.u32 v8, $0xFFFFFFFD;
	vm4 =	vmor vm4, vm5;
	vm7 =	vmor vm7, vm5  }
0xa0: {  	vm7 =	vmor vm7, vm8  }
0xa1: {  	v8 =	vsel vm7, $0xFFFFFFFF, v8  }
.Ltmp6:
0xa2: {  	v7 =	vsel vm5, $0x0, v10;
	v9, _, _ =	vpop (xrf2);
	(pc) =	sbr.rel @p2 .LBB2_8-.Ltmp6, $4  }
0xa3: {  	v6 =	vsel vm5, v9, v6;
	v10 =	vadd.f32 v9, v7;
	v7 =	vsel vm6, $0x0, v9  }
0xa4: {  	s29 =	sadd.s32 $0x10, s29;
	v7 =	vshift.insert v7, v0, s18  }
0xa5: {  	s31 =	sadd.s32 $0x10, s31;
	[tilespmem:s29+$0x0] =	vst v10;
	(ifvalue) =	ssetifvalue $0xFFFFFFFF  }
0xa6: {  	[hbm4b:s1+s14] =	stream.indirect_vreg.scatter [tilespmem:s29], [sflag:$0x2], $0x1, v8, vm0, $0x4038;
	[tilespmem:$0x12120] =	vst v63  }
0xa7: {  	v3 =	vld [tilespmem:s25+$0x100F0];
	_ =	sdelay $0x4  }
0xa8: {  	v3 =	vshift.insert v3, v0, s18;
	_ =	sdelay $0x1  }
0xa9: {  	[tilespmem:s19+$0x0] =	vst.msk $0x1, v3  }
0xaa: {  	v3 =	vsel vm4, $0x1, v1;
	[tilespmem:$0x90] =	vst v6  }
0xab: {  	s25 =	sadd.s32 @!p1 $0x100FF, s25;
	[tilespmem:$0xA0] =	vst v3  }
0xac: {  	[spmem:s12] =	stream.linear.scatter @!p1 [tilespmem:s25], [sflag:$0x1], $0x1, $0x38;
	[tilespmem:$0x12120] =	vst v63  }
0xad: {  	s25 =	simm.s32 @!p1 $0x1  }
0xae: {  	v3 =	vmctz.xlane @!p1 vm4;
	_ =	swait.ge @!p1 [sflag:s25], $0x1  }
0xaf: {  	(v2sf) =	vpush @!p1 v4, $0x0  }
0xb0: {  	(v2sf) =	vpush @!p1 v3, $0x0;
	_ =	sdelay $0xd  }
0xb1: {  	s26 =	spop @!p1 (v2sf)  }
0xb2: {  	s28 =	spop @!p1 (v2sf)  }
0xb3: {  	p2 =	sne.s32 @!p1 s24, s26;
	p3 =	slt.s32 @!p1 s28, $0xF  }
0xb4: {  	[sflag:s25] =	ssyncset.done @!p1 $0x0;
	p2 =	por p2, p1;
	p3 =	por !p3, p1  }
0xb5: {  	[sflag:s25] =	ssyncadd.s32 @!p1 $0xFFFFFFFF;
	v3 =	vimm.s32 @!p2 $0xFFFFFFFF;
	s28 =	simm.s32 @p3 $0xF  }
0xb6: {  	[tilespmem:$0x80] =	vst @!p2 v3;
	s24 =	sadd.s32 @!p1 $0x90, s28  }
0xb7: {  	[spmem:s10] =	stream.linear.scatter @!p1 [tilespmem:s24], [sflag:$0x1], $0x1, $0x38;
	[tilespmem:$0x12120] =	vst v63  }
0xb8: {  	_ =	swait.ge @!p1 [sflag:s25], $0x1  }
0xb9: {  	[sflag:s25] =	ssyncset.done @!p1 $0x0  }
0xba: {  	s24 =	simm.s32 @!p1 $0x80;
	[sflag:s25] =	ssyncadd.s32 @!p1 $0xFFFFFFFF  }
0xbb: {  	[spmem:s13] =	stream.linear.scatter @!p1 [tilespmem:s24], [sflag:$0x1], $0x1, $0x38;
	[tilespmem:$0x12120] =	vst v63  }
0xbc: {  	_ =	swait.ge @!p1 [sflag:s25], $0x1  }
0xbd: {  	[sflag:s25] =	ssyncset.done @!p1 $0x0  }
0xbe: {  	[sflag:s25] =	ssyncadd.s32 @!p1 $0xFFFFFFFF;
	(ifvalue) =	ssetifvalue $0xFFFFFFFF;
	v3 =	vld [tilespmem:s22+$0x10];
	_ =	sdelay $0x3  }
.Ltmp7:
0xbf: {  	_ = 	snop;
	(pc) =	sbr.rel .LBB2_10-.Ltmp7, $3  }
0xc0: {  	_ =	sdelay $0x1  }
0xc1: {  	(ifvalue) =	ssetifvalue $0xFFFFFFFF  }
0xc2: {  	[hbm4b:s1+s14] =	stream.indirect_vreg.scatter [tilespmem:s23], [sflag:$0x9], $0x1, v3, vm0, $0x4038;
	[tilespmem:$0x12120] =	vst v63  }
.LBB2_11:
0xc3: {  	_ =	sfence.sel $0x180000  }
0xc4: {  	s2 =	simm.s32 $0x7;
	[bflag:$0x0] =	sbarrier.arrive $0xFFFF  }
0xc5: {  	s26 =	simm.s32 $0x8;
	[sflag:s2] =	ssyncpa.u1 $0x1  }
0xc6: {  	s28 =	simm.s32 $0x9;
	[sflag:s26] =	ssyncpa.u1 $0x1  }
0xc7: {  	[sflag:s28] =	ssyncpa.u1 $0x1  }
0xc8: {  	_ =	sfence.stream.spmem  }
0xc9: {  	s29 =	simm.s32 $0x3;
	[bflag:$0x0] =	sbarrier.arrive $0xFFFF  }
0xca: {  	s30 =	simm.s32 $0x4;
	[sflag:s29] =	ssyncpa.u1 $0x1  }
0xcb: {  	s31 =	simm.s32 $0x3C;
	[sflag:s30] =	ssyncpa.u1 $0x1  }
0xcc: {  	p0 =	sne.s32 s4, $0x0;
	[sflag:s31] =	ssyncpa.u1 $0x1  }
0xcd: {  	s0 =	simm.s32 @p0 $0x1;
	_ =	sfence @p0  }
0xce: {  	[sflag:s0] =	ssyncpa.u1 @p0 $0x1;
	s0 =	simm.s32 @p0 $0x2  }
0xcf: {  	[sflag:s0] =	ssyncpa.u1 @p0 $0x1  }
0xd0: {  	_ =	strace @p0 $0x90000047  }
0xd1: {  	[bflag:$0x2] =	sbarrier.arrive @p0 $0xFFFF  }
0xd2: {  	_ =	shalt @p0  }
.LBB2_12:
0xd3: {  	_ =	sfence.stream.spmem;
	s4 =	simm.s32 $0x5  }
0xd4: {  	s2 =	simm.s32 $0x80;
	s3 =	simm.s32 $0xC0;
	[sflag:s4] =	ssyncpa.u1 $0x0  }
0xd5: {  	[tilespmem:s3], [sflag:$0x5] =	stream.linear.gather [spmem:s2], $0x20, $0x38;
	[tilespmem:$0x12120] =	vst v63  }
0xd6: {  	s2 =	simm.s32 $0x0;
	s3 =	simm.s32 $0xE0  }
0xd7: {  	[tilespmem:s3], [sflag:$0x5] =	stream.linear.gather [spmem:s2], $0x20, $0x38;
	[tilespmem:$0x12120] =	vst v63  }
.Ltmp8:
0xd8: {  	_ = 	snop;
	(pc) =	sbr.rel .LBB2_13-.Ltmp8, $4  }
0xd9: {  	_ =	swait.ge [sflag:s4], $0x40  }
0xda: {  	[sflag:s4] =	ssyncset.done $0x0  }
0xdb: {  	s31 =	simm.s32 $0x6;
	[sflag:s4] =	ssyncadd.s32 $0xFFFFFFC0  }
0xdc: {  	s4 =	simm.s32 $0x0;
	[sflag:s31] =	ssyncpa.u1 $0x0  }
.LBB2_18:
0xdd: {  	p0 =	sgt.u32 s5, $0x803FF  }
0xde: {  	s6 =	sshrl.u32 @!p0 s5, $0x3  }
0xdf: {  	s5 =	sand.u32 @!p0 $0x7, s5;
	s7 =	simm.s32 @!p0 $0xB0;
	s6 =	sadd.s32 @!p0 s1, s6  }
0xe0: {  	[tilespmem:s7], [sflag:$0x6] =	stream.linear.gather @!p0 [hbm4b:s6+s5], $0x1, $0x38;
	[tilespmem:$0x12120] =	vst v63  }
0xe1: {  	s5 =	simm.s32 @!p0 $0x6  }
0xe2: {  	_ =	swait.ge @!p0 [sflag:s5], $0x1  }
0xe3: {  	[sflag:s5] =	ssyncset.done @!p0 $0x0  }
0xe4: {  	[sflag:s5] =	ssyncadd.s32 @!p0 $0xFFFFFFFF  }
0xe5: {  	v2 =	vmov @!p0 s4;
	v1 =	vld.msk @!p0 [tilespmem:$0xB0], $0x1;
	_ =	sdelay $0x3  }
0xe6: {  	s5 =	simm.s32 @!p0 $0xE0  }
0xe7: {  	[tilespmem:v2+s5+$0x0], v1 =	vst.idx.ret.add.f32.msk @!p0 $0x1, v1  }
0xe8: {  	[tilespmem:s2+$0xC0] =	vst.msk $0x1, v0  }
0xe9: {  	v0 =	vld.msk [tilespmem:s4+$0xE0], $0x1;
	_ =	sdelay $0x4  }
0xea: {  	[tilespmem:s2+$0xE0] =	vst.msk $0x1, v0;
	s2 =	sadd.s32 $0x1, s2  }
.LBB2_20:
0xeb: {  	s4 =	sadd.s32 $0x1, s4  }
0xec: {  	p0 =	sne.s32 s4, $0x20  }
.Ltmp9:
0xed: {  	_ = 	snop;
	(pc) =	sbr.rel @!p0 .LBB2_21-.Ltmp9, $1  }
0xee: {  	_ =	sdelay $0x3  }
.LBB2_13:
0xef: {  	v0 =	vld.msk [tilespmem:s4+$0xC0], $0x1;
	_ =	sdelay $0x4  }
0xf0: {  	(v2sf) =	vpush v0, $0x0;
	_ =	sdelay $0xe  }
0xf1: {  	s5 =	spop (v2sf)  }
0xf2: {  	p0 =	seq.s32 s5, $0xFFFFFFFF  }
.Ltmp10:
0xf3: {  	_ = 	snop;
	(pc) =	sbr.rel @p0 .LBB2_20-.Ltmp10, $1  }
0xf4: {  	_ =	sdelay $0x3  }
0xf5: {  	p0 =	slt.s32 s2, $0x1  }
.Ltmp11:
0xf6: {  	_ = 	snop;
	(pc) =	sbr.rel @p0 .LBB2_18-.Ltmp11, $1  }
0xf7: {  	_ =	sdelay $0x3  }
0xf8: {  	s6 =	simm.s32 $0xC0;
	p0 =	por $0x0, $0x0  }
0xf9: {  	v1 =	vld.msk @!p0 [tilespmem:s6+$0x0], $0x1;
	_ =	sdelay $0x4  }
0xfa: {  	(v2sf) =	vpush @!p0 v1, $0x0;
	_ =	sdelay $0xd  }
0xfb: {  	p2 =	sne.s32 s2, $0x1  }
.Ltmp12:
0xfc: {  	s7 =	spop @!p0 (v2sf);
	(pc) =	sbr.rel @!p2 .LBB2_17-.Ltmp12, $4  }
0xfd: {  	p1 =	seq.s32 @!p0 s5, s7  }
0xfe: {  	s7 =	simm.s32 $0x0;
	p1 =	por !p1, p0  }
0xff: {  	s9 =	simm.s32 $0xFFFFFFFF;
	s7 =	simm.s32 @p1 $0xFFFFFFFF  }
0x100: {  	s8 =	simm.s32 $0x1;
	s7 =	smov.u32 @p0 s9  }
.LBB2_16:
0x101: {  	s9 =	smov.u32 s7;
	p0 =	sne.s32 s7, $0xFFFFFFFF  }
0x102: {  	s6 =	sadd.s32 $0x1, s6;
	s7 =	smov.u32 s8;
	s8 =	sadd.s32 $0x1, s8  }
0x103: {  	p1 =	sne.s32 s2, s8;
	v1 =	vld.msk @!p0 [tilespmem:s6+$0x0], $0x1;
	_ =	sdelay $0x4  }
0x104: {  	(v2sf) =	vpush @!p0 v1, $0x0;
	_ =	sdelay $0xe  }
.Ltmp13:
0x105: {  	s10 =	spop @!p0 (v2sf);
	(pc) =	sbr.rel @p1 .LBB2_16-.Ltmp13, $4  }
0x106: {  	p2 =	seq.s32 @!p0 s5, s10  }
0x107: {  	p2 =	por !p2, p0  }
0x108: {  	s7 =	simm.s32 @p2 $0xFFFFFFFF  }
0x109: {  	s7 =	smov.u32 @p0 s9  }
.LBB2_17:
0x10a: {  	p0 =	sne.s32 s7, $0xFFFFFFFF  }
.Ltmp14:
0x10b: {  	_ = 	snop;
	(pc) =	sbr.rel @!p0 .LBB2_18-.Ltmp14, $1  }
0x10c: {  	_ =	sdelay $0x3  }
0x10d: {  	v0 =	vld.msk [tilespmem:s4+$0xE0], $0x1;
	v1 =	vmov s7  }
.Ltmp15:
0x10e: {  	_ = 	snop;
	(pc) =	sbr.rel .LBB2_20-.Ltmp15, $2  }
0x10f: {  	_ =	sdelay $0x2  }
0x110: {  	[tilespmem:v1+s3+$0x0], v0 =	vst.idx.ret.add.f32.msk $0x1, v0  }
.LBB2_21:
0x111: {  	p0 =	slt.s32 s2, $0x1  }
.Ltmp16:
0x112: {  	_ = 	snop;
	(pc) =	sbr.rel @p0 .LBB2_25-.Ltmp16, $3  }
0x113: {  	_ =	sdelay $0x1  }
0x114: {  	s3 =	simm.s32 $0x6  }
0x115: {  	[sflag:s3] =	ssyncpa.u1 $0x1;
	s3 =	simm.s32 $0x0  }
0x116: {  	s4 =	simm.s32 $0xC0  }
0x117: {  	v0 =	vld.msk [tilespmem:s4+$0x0], $0x1;
	_ =	sdelay $0x4  }
0x118: {  	(v2sf) =	vpush v0, $0x0;
	_ =	sdelay $0xe  }
0x119: {  	s2 =	sadd.s32 $0xFFFFFFFF, s2;
	s5 =	spop (v2sf)  }
0x11a: {  	p1 =	sne.s32 s2, $0x0;
	p0 =	sgt.u32 s5, $0x803FF  }
.Ltmp17:
0x11b: {  	s6 =	sshrl.u32 @!p0 s5, $0x3;
	(pc) =	sbr.rel @!p1 .LBB2_24-.Ltmp17, $4  }
0x11c: {  	s4 =	simm.s32 $0xE0;
	s5 =	sand.u32 @!p0 $0x7, s5;
	s6 =	sadd.s32 @!p0 s1, s6  }
0x11d: {  	[hbm4b:s6+s5] =	stream.linear.scatter @!p0 [tilespmem:s4], [sflag:$0x5], $0x1, $0x38;
	[tilespmem:$0x12120] =	vst v63  }
0x11e: {  	s6 =	simm.s32 $0x0  }
0x11f: {  	s5 =	simm.s32 $0xC1;
	s6 =	simm.s32 @!p0 $0x4  }
.LBB2_23:
0x120: {  	v0 =	vld.msk [tilespmem:s5+$0x0], $0x1;
	s2 =	sadd.s32 $0xFFFFFFFF, s2;
	s3 =	sadd.s32 s3, s6  }
0x121: {  	p0 =	sne.s32 s2, $0x0;
	_ =	sdelay $0x3  }
0x122: {  	(v2sf) =	vpush v0, $0x0;
	_ =	sdelay $0xe  }
.Ltmp18:
0x123: {  	s7 =	spop (v2sf);
	(pc) =	sbr.rel @p0 .LBB2_23-.Ltmp18, $4  }
0x124: {  	s6 =	simm.s32 $0x0;
	p1 =	sgt.u32 s7, $0x803FF  }
0x125: {  	s4 =	sadd.s32 $0x1, s4;
	s6 =	simm.s32 @!p1 $0x4;
	s8 =	sshrl.u32 @!p1 s7, $0x3  }
0x126: {  	s5 =	sadd.s32 $0x1, s5;
	s7 =	sand.u32 @!p1 $0x7, s7;
	s8 =	sadd.s32 @!p1 s1, s8  }
0x127: {  	[hbm4b:s8+s7] =	stream.linear.scatter @!p1 [tilespmem:s4], [sflag:$0x5], $0x1, $0x38;
	[tilespmem:$0x12120] =	vst v63  }
.LBB2_24:
0x128: {  	s1 =	sadd.s32 s3, s6  }
0x129: {  	s3 =	sshrl.u32 s1, $0x2  }
.LBB2_25:
0x12a: {  	s1 =	simm.s32 $0x5  }
0x12b: {  	_ =	swait.ge [sflag:s1], s3  }
0x12c: {  	s2 =	ssub.s32 $0x0, s3;
	[sflag:s1] =	ssyncset.done $0x0  }
0x12d: {  	[sflag:s1] =	ssyncadd.s32 s2  }
0x12e: {  	[sflag:s1] =	ssyncpa.u1 $0x1  }
0x12f: {  	s30 =	simm.s32 $0x1;
	_ =	sfence  }
0x130: {  	s31 =	simm.s32 $0x2;
	[sflag:s30] =	ssyncpa.u1 $0x1  }
0x131: {  	[sflag:s31] =	ssyncpa.u1 $0x1  }
0x132: {  	_ =	strace $0x90000047  }
0x133: {  	s0 =	sadd.s32 $0x100000, s0;
	[bflag:$0x2] =	sbarrier.arrive $0xFFFF  }
0x134: {  	[sflag:s0] =	ssyncadd.tile.s32 $0x1;
	_ =	shalt  }
.Lfunc_end2:
_tile_overlayer_lowered:
.L_overlay_start_2:
0x135: {  	(tag) =	ssettag $0x2  }
0x136: {  	s0 =	rddreg [dreg:$0x0];
	s2 =	stileid.u32  }
0x137: {  	s1 =	rddreg [dreg:$0x1];
	p0 =	sne.s32 s2, $0x0  }
0x138: {  	s3 =	rddreg [dreg:$0x2];
	[bflag:$0x3] =	sbarrier.arrive $0xFFFF;
	s2 =	simm.s32 @!p0 $0x1C01  }
0x139: {  	[timem:s3], [sflag:s2] =	dma.local @!p0 [hbm:s0], s1  }
0x13a: {  	s0 =	simm.s32 @!p0 $0x1  }
0x13b: {  	_ =	swait.ge @!p0 [sflag:s0], s1  }
0x13c: {  	s1 =	ssub.s32 @!p0 $0x0, s1;
	[sflag:s0] =	ssyncset.done @!p0 $0x0  }
0x13d: {  	[sflag:s0] =	ssyncadd.s32 @!p0 s1  }
0x13e: {  	[bflag:$0x3] =	sbarrier.arrive $0xFFFF  }
0x13f: {  	_ =	shalt  }

</sc_bundles>
